<compile_context>
chip_gen: v7x
topology: tpu7x:2x2x1
jax: 0.10.2.dev20260603
libtpu: 0.0.44.dev20260713+nightly
codegen_flags: <defaults>
</compile_context>

<pallas_src>
import functools

import jax
import jax.numpy as jnp
from jax import lax
from jax.experimental import pallas as pl
from jax.experimental.pallas import tpu as pltpu
from jax.experimental.pallas import tpu_sc as plsc

N_NODES = 10000
N_EDGES = 320000
D = 128

NC = 2
NS = 16
NW = NC * NS
K = 128
N_CHUNKS = 92
NCH0 = 66
NCH1 = 92
E_PAD = NW * N_CHUNKS * K
N_PAD = 10240
ROWS_PER_TILE = N_PAD // NS


def _sc_segment_sum(x, src_r, dst_r):
    mesh = plsc.VectorSubcoreMesh(core_axis_name="c", subcore_axis_name="s")

    @functools.partial(
        pl.kernel,
        out_type=jax.ShapeDtypeStruct((NC, N_PAD, D), jnp.float32),
        mesh=mesh,
        scratch_types=[
            pltpu.VMEM((N_CHUNKS, K), jnp.int32),
            pltpu.VMEM((N_CHUNKS, K), jnp.int32),
            pltpu.VMEM((K, D), jnp.float32),
            pltpu.VMEM_SHARED((N_PAD, D), jnp.float32),
            pltpu.SemaphoreType.DMA,
        ],
    )
    def seg_sum(x_hbm, src_hbm, dst_hbm, out_hbm, src_v, dst_v, rows_v, acc, sem):
        cid = lax.axis_index("c")
        sid = lax.axis_index("s")
        wid = sid * NC + cid

        pltpu.sync_copy(src_hbm.at[wid], src_v)
        pltpu.sync_copy(dst_hbm.at[wid], dst_v)

        def zero_row(i):
            for c in range(D // 16):
                rows_v[i, pl.ds(c * 16, 16)] = jnp.zeros((16,), jnp.float32)
        lax.fori_loop(0, K, lambda i, _: (zero_row(i), 0)[1], 0)
        zbase = sid * ROWS_PER_TILE
        for bb in range(ROWS_PER_TILE // K):
            pltpu.sync_copy(rows_v, acc.at[pl.ds(zbase + bb * K, K)])
        plsc.subcore_barrier()

        my_chunks = jnp.where(cid == 0, NCH0, NCH1)
        def body(j):
            pltpu.async_copy(x_hbm.at[src_v.at[j]], rows_v, sem).wait()
            pltpu.sync_copy(rows_v, acc.at[dst_v.at[j]], add=True)
        lax.fori_loop(0, my_chunks, lambda j, _: (body(j), 0)[1], 0)
        plsc.subcore_barrier()

        pltpu.sync_copy(
            acc.at[pl.ds(zbase, ROWS_PER_TILE)],
            out_hbm.at[cid, pl.ds(zbase, ROWS_PER_TILE)],
        )

    return seg_sum(x, src_r, dst_r)


def _tc_finish_body(x_ref, a_ref, ws_ref, wn_ref, b_ref, o_ref):
    agg = a_ref[0] + a_ref[1]
    h = (
        jnp.dot(x_ref[...], ws_ref[...], preferred_element_type=jnp.float32)
        + jnp.dot(agg, wn_ref[...], preferred_element_type=jnp.float32)
        + b_ref[...]
    )
    o_ref[...] = jnp.maximum(h, 0.0)


def _tc_finish(x, accs, W_self, W_nbr, b2):
    R = 1000
    grid = N_NODES // R
    return pl.pallas_call(
        _tc_finish_body,
        grid=(grid,),
        in_specs=[
            pl.BlockSpec((R, D), lambda i: (i, 0)),
            pl.BlockSpec((NC, R, D), lambda i: (0, i, 0)),
            pl.BlockSpec((D, D), lambda i: (0, 0)),
            pl.BlockSpec((D, D), lambda i: (0, 0)),
            pl.BlockSpec((1, D), lambda i: (0, 0)),
        ],
        out_specs=pl.BlockSpec((R, D), lambda i: (i, 0)),
        out_shape=jax.ShapeDtypeStruct((N_NODES, D), jnp.float32),
    )(x, accs, W_self, W_nbr, b2)


def kernel(x, edge_index, W_self, W_nbr, b):
    src = edge_index[0].astype(jnp.int32)
    dst = edge_index[1].astype(jnp.int32)
    used = NS * (NCH0 + NCH1) * K
    pad = used - N_EDGES
    src_p = jnp.concatenate([src, jnp.zeros((pad,), jnp.int32)])
    dst_p = jnp.concatenate([dst, jnp.full((pad,), N_NODES, jnp.int32)])
    grp = src_p.reshape(NS, (NCH0 + NCH1) * K)
    src0 = grp[:, : NCH0 * K].reshape(NS, NCH0, K)
    src1 = grp[:, NCH0 * K:].reshape(NS, NCH1, K)
    grpd = dst_p.reshape(NS, (NCH0 + NCH1) * K)
    dst0 = grpd[:, : NCH0 * K].reshape(NS, NCH0, K)
    dst1 = grpd[:, NCH0 * K:].reshape(NS, NCH1, K)
    fill = jnp.zeros((NS, N_CHUNKS - NCH0, K), jnp.int32)
    filld = jnp.full((NS, N_CHUNKS - NCH0, K), N_NODES, jnp.int32)
    src_r = jnp.stack([jnp.concatenate([src0, fill], axis=1), src1], axis=1)
    dst_r = jnp.stack([jnp.concatenate([dst0, filld], axis=1), dst1], axis=1)
    src_r = src_r.reshape(NW, N_CHUNKS, K)
    dst_r = dst_r.reshape(NW, N_CHUNKS, K)

    accs = _sc_segment_sum(x, src_r, dst_r)
    return _tc_finish(x, accs, W_self, W_nbr, b.reshape(1, D))

# --- scband reference (transcript-rebuilt; emitter-appended) ---
"""Pipeline reference for scband-base-gnnencoder-layer-17171279249941 (READ-ONLY COPY).

The authoritative reference and input builder live on the scoring server;
editing this copy changes nothing except your own understanding.
"""

import jax, jax.numpy as jnp
import numpy as np

N_NODES = 10000
N_EDGES = 320000
D = 128

def setup_inputs(seed: int = 0) -> dict:
    key = jax.random.key(seed)
    k_x, k_ei, k_ws, k_wn, k_b = jax.random.split(key, 5)
    x = jax.random.normal(k_x, (N_NODES, D), dtype=jnp.float32)
    edge_index = jax.random.randint(k_ei, (2, N_EDGES), 0, N_NODES, dtype=jnp.int64)
    # GraphConv-style parameters: self weight, neighbor weight, bias (hidden_size=128)
    scale = 1.0 / np.sqrt(D)
    W_self = jax.random.normal(k_ws, (D, D), dtype=jnp.float32) * scale
    W_nbr = jax.random.normal(k_wn, (D, D), dtype=jnp.float32) * scale
    b = jax.random.normal(k_b, (D,), dtype=jnp.float32) * scale
    return {"x": x, "edge_index": edge_index, "W_self": W_self, "W_nbr": W_nbr, "b": b}

def reference(x, edge_index, W_self, W_nbr, b):
    # self.conv(x, edge_index): GraphConv-style message passing
    src = edge_index[0]
    dst = edge_index[1]
    msgs = jnp.take(x, src, axis=0) @ W_nbr            # gather + transform
    agg = jax.ops.segment_sum(msgs, dst, num_segments=N_NODES)  # scatter-add to dst
    h = x @ W_self + agg + b
    # dropout (rate=0.0, eval) is identity; activation = relu
    return jax.nn.relu(h)

if __name__ == "__main__":
    import jax
    _d = setup_inputs()
    print(jax.jit(kernel)(*tuple(_d.values())))

</pallas_src>

<mosaic_0001>
#map = affine_map<(d0, d1) -> (0, 0)>
#map1 = affine_map<(d0, d1) -> (0, 0, 0)>
module attributes {stable_mosaic.version = 14 : i64} {
  func.func @seg_sum(%arg0: i32, %arg1: i32, %arg2: memref<10000x128xf32, #tpu.memory_space<hbm>>, %arg3: memref<32x92x128xi32, #tpu.memory_space<hbm>>, %arg4: memref<32x92x128xi32, #tpu.memory_space<hbm>>, %arg5: memref<2x10240x128xf32, #tpu.memory_space<hbm>>, %arg6: memref<92x128xi32, #tpu.memory_space<vmem>>, %arg7: memref<92x128xi32, #tpu.memory_space<vmem>>, %arg8: memref<128x128xf32, #tpu.memory_space<vmem>>, %arg9: memref<10240x128xf32, #tpu.memory_space<vmem_shared>>, %arg10: memref<!tpu.dma_semaphore, #tpu.memory_space<semaphore_mem>>) attributes {dimension_semantics = [#tpu.dimension_semantics<core_parallel>, #tpu.dimension_semantics<subcore_parallel>], iteration_bounds = array<i64: 2, 16>, scalar_prefetch = 0 : i64, scratch_operands = 5 : i64, tpu.core_type = #tpu.core_type<sc_vector_subcore>, window_params = [{transform_indices = #map}, {transform_indices = #map1}, {transform_indices = #map1}, {transform_indices = #map1}]} {
    %mul3A = arith.constant 2 : i32
    %mul3A_0 = arith.muli %arg1, %mul3A : i32
    %add3A = arith.addi %mul3A_0, %arg0 : i32
    "tpu.region"() ({
      %run_scoped3A = tpu.sem_alloc : memref<!tpu.dma_semaphore, #tpu.memory_space<semaphore_mem>>
      %dma_start3A = arith.constant 0 : i32
      %dma_start3A_33 = arith.constant 0 : i32
      %dma_start3A_34 = tpu.memref_slice %arg3[%add3A, %dma_start3A, %dma_start3A_33] : memref<32x92x128xi32, #tpu.memory_space<hbm>> -> memref<1x92x128xi32, #tpu.memory_space<hbm>>
      %dma_start3A_35 = tpu.memref_squeeze %dma_start3A_34 : memref<1x92x128xi32, #tpu.memory_space<hbm>> -> memref<92x128xi32, #tpu.memory_space<hbm>>
      %dma_start3A_36 = arith.constant 0 : i32
      %dma_start3A_37 = arith.constant 0 : i32
      %dma_start3A_38 = tpu.memref_slice %arg3[%add3A, %dma_start3A_36, %dma_start3A_37] : memref<32x92x128xi32, #tpu.memory_space<hbm>> -> memref<1x92x128xi32, #tpu.memory_space<hbm>>
      %dma_start3A_39 = tpu.memref_squeeze %dma_start3A_38 : memref<1x92x128xi32, #tpu.memory_space<hbm>> -> memref<92x128xi32, #tpu.memory_space<hbm>>
      tpu.enqueue_dma source(%dma_start3A_39 : memref<92x128xi32, #tpu.memory_space<hbm>>) target(%arg6 : memref<92x128xi32, #tpu.memory_space<vmem>>) target_semaphore(%run_scoped3A : memref<!tpu.dma_semaphore, #tpu.memory_space<semaphore_mem>>)
      %dma_wait3A = arith.constant 0 : i32
      %dma_wait3A_40 = arith.constant 0 : i32
      %dma_wait3A_41 = tpu.memref_slice %arg3[%add3A, %dma_wait3A, %dma_wait3A_40] : memref<32x92x128xi32, #tpu.memory_space<hbm>> -> memref<1x92x128xi32, #tpu.memory_space<hbm>>
      %dma_wait3A_42 = tpu.memref_squeeze %dma_wait3A_41 : memref<1x92x128xi32, #tpu.memory_space<hbm>> -> memref<92x128xi32, #tpu.memory_space<hbm>>
      %dma_wait3A_43 = arith.constant 0 : i32
      %dma_wait3A_44 = arith.constant 0 : i32
      %dma_wait3A_45 = tpu.memref_slice %arg3[%add3A, %dma_wait3A_43, %dma_wait3A_44] : memref<32x92x128xi32, #tpu.memory_space<hbm>> -> memref<1x92x128xi32, #tpu.memory_space<hbm>>
      %dma_wait3A_46 = tpu.memref_squeeze %dma_wait3A_45 : memref<1x92x128xi32, #tpu.memory_space<hbm>> -> memref<92x128xi32, #tpu.memory_space<hbm>>
      tpu.wait_dma2 semaphore(%run_scoped3A : memref<!tpu.dma_semaphore, #tpu.memory_space<semaphore_mem>>) src(%dma_wait3A_46 : memref<92x128xi32, #tpu.memory_space<hbm>>) dst(%arg6 : memref<92x128xi32, #tpu.memory_space<vmem>>)
      tpu.yield
    }) : () -> ()
    "tpu.region"() ({
      %run_scoped3A = tpu.sem_alloc : memref<!tpu.dma_semaphore, #tpu.memory_space<semaphore_mem>>
      %dma_start3A = arith.constant 0 : i32
      %dma_start3A_33 = arith.constant 0 : i32
      %dma_start3A_34 = tpu.memref_slice %arg4[%add3A, %dma_start3A, %dma_start3A_33] : memref<32x92x128xi32, #tpu.memory_space<hbm>> -> memref<1x92x128xi32, #tpu.memory_space<hbm>>
      %dma_start3A_35 = tpu.memref_squeeze %dma_start3A_34 : memref<1x92x128xi32, #tpu.memory_space<hbm>> -> memref<92x128xi32, #tpu.memory_space<hbm>>
      %dma_start3A_36 = arith.constant 0 : i32
      %dma_start3A_37 = arith.constant 0 : i32
      %dma_start3A_38 = tpu.memref_slice %arg4[%add3A, %dma_start3A_36, %dma_start3A_37] : memref<32x92x128xi32, #tpu.memory_space<hbm>> -> memref<1x92x128xi32, #tpu.memory_space<hbm>>
      %dma_start3A_39 = tpu.memref_squeeze %dma_start3A_38 : memref<1x92x128xi32, #tpu.memory_space<hbm>> -> memref<92x128xi32, #tpu.memory_space<hbm>>
      tpu.enqueue_dma source(%dma_start3A_39 : memref<92x128xi32, #tpu.memory_space<hbm>>) target(%arg7 : memref<92x128xi32, #tpu.memory_space<vmem>>) target_semaphore(%run_scoped3A : memref<!tpu.dma_semaphore, #tpu.memory_space<semaphore_mem>>)
      %dma_wait3A = arith.constant 0 : i32
      %dma_wait3A_40 = arith.constant 0 : i32
      %dma_wait3A_41 = tpu.memref_slice %arg4[%add3A, %dma_wait3A, %dma_wait3A_40] : memref<32x92x128xi32, #tpu.memory_space<hbm>> -> memref<1x92x128xi32, #tpu.memory_space<hbm>>
      %dma_wait3A_42 = tpu.memref_squeeze %dma_wait3A_41 : memref<1x92x128xi32, #tpu.memory_space<hbm>> -> memref<92x128xi32, #tpu.memory_space<hbm>>
      %dma_wait3A_43 = arith.constant 0 : i32
      %dma_wait3A_44 = arith.constant 0 : i32
      %dma_wait3A_45 = tpu.memref_slice %arg4[%add3A, %dma_wait3A_43, %dma_wait3A_44] : memref<32x92x128xi32, #tpu.memory_space<hbm>> -> memref<1x92x128xi32, #tpu.memory_space<hbm>>
      %dma_wait3A_46 = tpu.memref_squeeze %dma_wait3A_45 : memref<1x92x128xi32, #tpu.memory_space<hbm>> -> memref<92x128xi32, #tpu.memory_space<hbm>>
      tpu.wait_dma2 semaphore(%run_scoped3A : memref<!tpu.dma_semaphore, #tpu.memory_space<semaphore_mem>>) src(%dma_wait3A_46 : memref<92x128xi32, #tpu.memory_space<hbm>>) dst(%arg7 : memref<92x128xi32, #tpu.memory_space<vmem>>)
      tpu.yield
    }) : () -> ()
    %scan3A = arith.constant 0 : i32
    %scan3A_1 = arith.constant 0 : i32
    %scan3A_2 = arith.constant 128 : i32
    %scan3A_3 = arith.addi %scan3A_1, %scan3A_2 : i32
    %scan3A_4 = arith.constant 1 : i32
    %scan3A_5 = scf.for %scan3A_33 = %scan3A_1 to %scan3A_3 step %scan3A_4 iter_args(%scan3A_34 = %scan3A) -> (i32)  : i32 {
      %broadcast_in_dim3A = arith.constant 0.000000e+00 : f32
      %broadcast_in_dim3A_35 = vector.broadcast %broadcast_in_dim3A : f32 to vector<16xf32>
      %swap3A = arith.index_cast %scan3A_33 : i32 to index
      %swap3A_36 = arith.constant 0 : index
      %swap3A_37 = tpu.vector_load %arg8[%swap3A, %swap3A_36] {strides = array<i32>} : memref<128x128xf32, #tpu.memory_space<vmem>>, vector<1x16xf32>,
      %swap3A_38 = vector.shape_cast %swap3A_37 : vector<1x16xf32> to vector<16xf32>
      %swap3A_39 = vector.shape_cast %broadcast_in_dim3A_35 : vector<16xf32> to vector<1x16xf32>
      tpu.vector_store %arg8[%swap3A, %swap3A_36], %swap3A_39 {strides = array<i32>} : memref<128x128xf32, #tpu.memory_space<vmem>>, vector<1x16xf32>,
      %broadcast_in_dim3A_40 = arith.constant 0.000000e+00 : f32
      %broadcast_in_dim3A_41 = vector.broadcast %broadcast_in_dim3A_40 : f32 to vector<16xf32>
      %swap3A_42 = arith.index_cast %scan3A_33 : i32 to index
      %swap3A_43 = arith.constant 16 : index
      %swap3A_44 = tpu.vector_load %arg8[%swap3A_42, %swap3A_43] {strides = array<i32>} : memref<128x128xf32, #tpu.memory_space<vmem>>, vector<1x16xf32>,
      %swap3A_45 = vector.shape_cast %swap3A_44 : vector<1x16xf32> to vector<16xf32>
      %swap3A_46 = vector.shape_cast %broadcast_in_dim3A_41 : vector<16xf32> to vector<1x16xf32>
      tpu.vector_store %arg8[%swap3A_42, %swap3A_43], %swap3A_46 {strides = array<i32>} : memref<128x128xf32, #tpu.memory_space<vmem>>, vector<1x16xf32>,
      %broadcast_in_dim3A_47 = arith.constant 0.000000e+00 : f32
      %broadcast_in_dim3A_48 = vector.broadcast %broadcast_in_dim3A_47 : f32 to vector<16xf32>
      %swap3A_49 = arith.index_cast %scan3A_33 : i32 to index
      %swap3A_50 = arith.constant 32 : index
      %swap3A_51 = tpu.vector_load %arg8[%swap3A_49, %swap3A_50] {strides = array<i32>} : memref<128x128xf32, #tpu.memory_space<vmem>>, vector<1x16xf32>,
      %swap3A_52 = vector.shape_cast %swap3A_51 : vector<1x16xf32> to vector<16xf32>
      %swap3A_53 = vector.shape_cast %broadcast_in_dim3A_48 : vector<16xf32> to vector<1x16xf32>
      tpu.vector_store %arg8[%swap3A_49, %swap3A_50], %swap3A_53 {strides = array<i32>} : memref<128x128xf32, #tpu.memory_space<vmem>>, vector<1x16xf32>,
      %broadcast_in_dim3A_54 = arith.constant 0.000000e+00 : f32
      %broadcast_in_dim3A_55 = vector.broadcast %broadcast_in_dim3A_54 : f32 to vector<16xf32>
      %swap3A_56 = arith.index_cast %scan3A_33 : i32 to index
      %swap3A_57 = arith.constant 48 : index
      %swap3A_58 = tpu.vector_load %arg8[%swap3A_56, %swap3A_57] {strides = array<i32>} : memref<128x128xf32, #tpu.memory_space<vmem>>, vector<1x16xf32>,
      %swap3A_59 = vector.shape_cast %swap3A_58 : vector<1x16xf32> to vector<16xf32>
      %swap3A_60 = vector.shape_cast %broadcast_in_dim3A_55 : vector<16xf32> to vector<1x16xf32>
      tpu.vector_store %arg8[%swap3A_56, %swap3A_57], %swap3A_60 {strides = array<i32>} : memref<128x128xf32, #tpu.memory_space<vmem>>, vector<1x16xf32>,
      %broadcast_in_dim3A_61 = arith.constant 0.000000e+00 : f32
      %broadcast_in_dim3A_62 = vector.broadcast %broadcast_in_dim3A_61 : f32 to vector<16xf32>
      %swap3A_63 = arith.index_cast %scan3A_33 : i32 to index
      %swap3A_64 = arith.constant 64 : index
      %swap3A_65 = tpu.vector_load %arg8[%swap3A_63, %swap3A_64] {strides = array<i32>} : memref<128x128xf32, #tpu.memory_space<vmem>>, vector<1x16xf32>,
      %swap3A_66 = vector.shape_cast %swap3A_65 : vector<1x16xf32> to vector<16xf32>
      %swap3A_67 = vector.shape_cast %broadcast_in_dim3A_62 : vector<16xf32> to vector<1x16xf32>
      tpu.vector_store %arg8[%swap3A_63, %swap3A_64], %swap3A_67 {strides = array<i32>} : memref<128x128xf32, #tpu.memory_space<vmem>>, vector<1x16xf32>,
      %broadcast_in_dim3A_68 = arith.constant 0.000000e+00 : f32
      %broadcast_in_dim3A_69 = vector.broadcast %broadcast_in_dim3A_68 : f32 to vector<16xf32>
      %swap3A_70 = arith.index_cast %scan3A_33 : i32 to index
      %swap3A_71 = arith.constant 80 : index
      %swap3A_72 = tpu.vector_load %arg8[%swap3A_70, %swap3A_71] {strides = array<i32>} : memref<128x128xf32, #tpu.memory_space<vmem>>, vector<1x16xf32>,
      %swap3A_73 = vector.shape_cast %swap3A_72 : vector<1x16xf32> to vector<16xf32>
      %swap3A_74 = vector.shape_cast %broadcast_in_dim3A_69 : vector<16xf32> to vector<1x16xf32>
      tpu.vector_store %arg8[%swap3A_70, %swap3A_71], %swap3A_74 {strides = array<i32>} : memref<128x128xf32, #tpu.memory_space<vmem>>, vector<1x16xf32>,
      %broadcast_in_dim3A_75 = arith.constant 0.000000e+00 : f32
      %broadcast_in_dim3A_76 = vector.broadcast %broadcast_in_dim3A_75 : f32 to vector<16xf32>
      %swap3A_77 = arith.index_cast %scan3A_33 : i32 to index
      %swap3A_78 = arith.constant 96 : index
      %swap3A_79 = tpu.vector_load %arg8[%swap3A_77, %swap3A_78] {strides = array<i32>} : memref<128x128xf32, #tpu.memory_space<vmem>>, vector<1x16xf32>,
      %swap3A_80 = vector.shape_cast %swap3A_79 : vector<1x16xf32> to vector<16xf32>
      %swap3A_81 = vector.shape_cast %broadcast_in_dim3A_76 : vector<16xf32> to vector<1x16xf32>
      tpu.vector_store %arg8[%swap3A_77, %swap3A_78], %swap3A_81 {strides = array<i32>} : memref<128x128xf32, #tpu.memory_space<vmem>>, vector<1x16xf32>,
      %broadcast_in_dim3A_82 = arith.constant 0.000000e+00 : f32
      %broadcast_in_dim3A_83 = vector.broadcast %broadcast_in_dim3A_82 : f32 to vector<16xf32>
      %swap3A_84 = arith.index_cast %scan3A_33 : i32 to index
      %swap3A_85 = arith.constant 112 : index
      %swap3A_86 = tpu.vector_load %arg8[%swap3A_84, %swap3A_85] {strides = array<i32>} : memref<128x128xf32, #tpu.memory_space<vmem>>, vector<1x16xf32>,
      %swap3A_87 = vector.shape_cast %swap3A_86 : vector<1x16xf32> to vector<16xf32>
      %swap3A_88 = vector.shape_cast %broadcast_in_dim3A_83 : vector<16xf32> to vector<1x16xf32>
      tpu.vector_store %arg8[%swap3A_84, %swap3A_85], %swap3A_88 {strides = array<i32>} : memref<128x128xf32, #tpu.memory_space<vmem>>, vector<1x16xf32>,
      %scan3A_89 = arith.constant 0 : i32
      scf.yield %scan3A_89 : i32
    }
    %scan3A_6 = arith.constant 128 : i32
    %mul3A_7 = arith.constant 640 : i32
    %mul3A_8 = arith.muli %arg1, %mul3A_7 : i32
    %add3A_9 = arith.constant 0 : i32
    %add3A_10 = arith.addi %mul3A_8, %add3A_9 : i32
    "tpu.region"() ({
      %run_scoped3A = tpu.sem_alloc : memref<!tpu.dma_semaphore, #tpu.memory_space<semaphore_mem>>
      %dma_start3A = arith.constant 0 : i32
      %dma_start3A_33 = tpu.memref_slice %arg9[%add3A_10, %dma_start3A] : memref<10240x128xf32, #tpu.memory_space<vmem_shared>> -> memref<128x128xf32, #tpu.memory_space<vmem_shared>>
      %dma_start3A_34 = arith.constant 0 : i32
      %dma_start3A_35 = tpu.memref_slice %arg9[%add3A_10, %dma_start3A_34] : memref<10240x128xf32, #tpu.memory_space<vmem_shared>> -> memref<128x128xf32, #tpu.memory_space<vmem_shared>>
      tpu.enqueue_dma source(%arg8 : memref<128x128xf32, #tpu.memory_space<vmem>>) target(%dma_start3A_35 : memref<128x128xf32, #tpu.memory_space<vmem_shared>>) target_semaphore(%run_scoped3A : memref<!tpu.dma_semaphore, #tpu.memory_space<semaphore_mem>>)
      %dma_wait3A = arith.constant 0 : i32
      %dma_wait3A_36 = tpu.memref_slice %arg9[%add3A_10, %dma_wait3A] : memref<10240x128xf32, #tpu.memory_space<vmem_shared>> -> memref<128x128xf32, #tpu.memory_space<vmem_shared>>
      %dma_wait3A_37 = arith.constant 0 : i32
      %dma_wait3A_38 = tpu.memref_slice %arg9[%add3A_10, %dma_wait3A_37] : memref<10240x128xf32, #tpu.memory_space<vmem_shared>> -> memref<128x128xf32, #tpu.memory_space<vmem_shared>>
      tpu.wait_dma2 semaphore(%run_scoped3A : memref<!tpu.dma_semaphore, #tpu.memory_space<semaphore_mem>>) src(%arg8 : memref<128x128xf32, #tpu.memory_space<vmem>>) dst(%dma_wait3A_38 : memref<128x128xf32, #tpu.memory_space<vmem_shared>>)
      tpu.yield
    }) : () -> ()
    %add3A_11 = arith.constant 128 : i32
    %add3A_12 = arith.addi %mul3A_8, %add3A_11 : i32
    "tpu.region"() ({
      %run_scoped3A = tpu.sem_alloc : memref<!tpu.dma_semaphore, #tpu.memory_space<semaphore_mem>>
      %dma_start3A = arith.constant 0 : i32
      %dma_start3A_33 = tpu.memref_slice %arg9[%add3A_12, %dma_start3A] : memref<10240x128xf32, #tpu.memory_space<vmem_shared>> -> memref<128x128xf32, #tpu.memory_space<vmem_shared>>
      %dma_start3A_34 = arith.constant 0 : i32
      %dma_start3A_35 = tpu.memref_slice %arg9[%add3A_12, %dma_start3A_34] : memref<10240x128xf32, #tpu.memory_space<vmem_shared>> -> memref<128x128xf32, #tpu.memory_space<vmem_shared>>
      tpu.enqueue_dma source(%arg8 : memref<128x128xf32, #tpu.memory_space<vmem>>) target(%dma_start3A_35 : memref<128x128xf32, #tpu.memory_space<vmem_shared>>) target_semaphore(%run_scoped3A : memref<!tpu.dma_semaphore, #tpu.memory_space<semaphore_mem>>)
      %dma_wait3A = arith.constant 0 : i32
      %dma_wait3A_36 = tpu.memref_slice %arg9[%add3A_12, %dma_wait3A] : memref<10240x128xf32, #tpu.memory_space<vmem_shared>> -> memref<128x128xf32, #tpu.memory_space<vmem_shared>>
      %dma_wait3A_37 = arith.constant 0 : i32
      %dma_wait3A_38 = tpu.memref_slice %arg9[%add3A_12, %dma_wait3A_37] : memref<10240x128xf32, #tpu.memory_space<vmem_shared>> -> memref<128x128xf32, #tpu.memory_space<vmem_shared>>
      tpu.wait_dma2 semaphore(%run_scoped3A : memref<!tpu.dma_semaphore, #tpu.memory_space<semaphore_mem>>) src(%arg8 : memref<128x128xf32, #tpu.memory_space<vmem>>) dst(%dma_wait3A_38 : memref<128x128xf32, #tpu.memory_space<vmem_shared>>)
      tpu.yield
    }) : () -> ()
    %add3A_13 = arith.constant 256 : i32
    %add3A_14 = arith.addi %mul3A_8, %add3A_13 : i32
    "tpu.region"() ({
      %run_scoped3A = tpu.sem_alloc : memref<!tpu.dma_semaphore, #tpu.memory_space<semaphore_mem>>
      %dma_start3A = arith.constant 0 : i32
      %dma_start3A_33 = tpu.memref_slice %arg9[%add3A_14, %dma_start3A] : memref<10240x128xf32, #tpu.memory_space<vmem_shared>> -> memref<128x128xf32, #tpu.memory_space<vmem_shared>>
      %dma_start3A_34 = arith.constant 0 : i32
      %dma_start3A_35 = tpu.memref_slice %arg9[%add3A_14, %dma_start3A_34] : memref<10240x128xf32, #tpu.memory_space<vmem_shared>> -> memref<128x128xf32, #tpu.memory_space<vmem_shared>>
      tpu.enqueue_dma source(%arg8 : memref<128x128xf32, #tpu.memory_space<vmem>>) target(%dma_start3A_35 : memref<128x128xf32, #tpu.memory_space<vmem_shared>>) target_semaphore(%run_scoped3A : memref<!tpu.dma_semaphore, #tpu.memory_space<semaphore_mem>>)
      %dma_wait3A = arith.constant 0 : i32
      %dma_wait3A_36 = tpu.memref_slice %arg9[%add3A_14, %dma_wait3A] : memref<10240x128xf32, #tpu.memory_space<vmem_shared>> -> memref<128x128xf32, #tpu.memory_space<vmem_shared>>
      %dma_wait3A_37 = arith.constant 0 : i32
      %dma_wait3A_38 = tpu.memref_slice %arg9[%add3A_14, %dma_wait3A_37] : memref<10240x128xf32, #tpu.memory_space<vmem_shared>> -> memref<128x128xf32, #tpu.memory_space<vmem_shared>>
      tpu.wait_dma2 semaphore(%run_scoped3A : memref<!tpu.dma_semaphore, #tpu.memory_space<semaphore_mem>>) src(%arg8 : memref<128x128xf32, #tpu.memory_space<vmem>>) dst(%dma_wait3A_38 : memref<128x128xf32, #tpu.memory_space<vmem_shared>>)
      tpu.yield
    }) : () -> ()
    %add3A_15 = arith.constant 384 : i32
    %add3A_16 = arith.addi %mul3A_8, %add3A_15 : i32
    "tpu.region"() ({
      %run_scoped3A = tpu.sem_alloc : memref<!tpu.dma_semaphore, #tpu.memory_space<semaphore_mem>>
      %dma_start3A = arith.constant 0 : i32
      %dma_start3A_33 = tpu.memref_slice %arg9[%add3A_16, %dma_start3A] : memref<10240x128xf32, #tpu.memory_space<vmem_shared>> -> memref<128x128xf32, #tpu.memory_space<vmem_shared>>
      %dma_start3A_34 = arith.constant 0 : i32
      %dma_start3A_35 = tpu.memref_slice %arg9[%add3A_16, %dma_start3A_34] : memref<10240x128xf32, #tpu.memory_space<vmem_shared>> -> memref<128x128xf32, #tpu.memory_space<vmem_shared>>
      tpu.enqueue_dma source(%arg8 : memref<128x128xf32, #tpu.memory_space<vmem>>) target(%dma_start3A_35 : memref<128x128xf32, #tpu.memory_space<vmem_shared>>) target_semaphore(%run_scoped3A : memref<!tpu.dma_semaphore, #tpu.memory_space<semaphore_mem>>)
      %dma_wait3A = arith.constant 0 : i32
      %dma_wait3A_36 = tpu.memref_slice %arg9[%add3A_16, %dma_wait3A] : memref<10240x128xf32, #tpu.memory_space<vmem_shared>> -> memref<128x128xf32, #tpu.memory_space<vmem_shared>>
      %dma_wait3A_37 = arith.constant 0 : i32
      %dma_wait3A_38 = tpu.memref_slice %arg9[%add3A_16, %dma_wait3A_37] : memref<10240x128xf32, #tpu.memory_space<vmem_shared>> -> memref<128x128xf32, #tpu.memory_space<vmem_shared>>
      tpu.wait_dma2 semaphore(%run_scoped3A : memref<!tpu.dma_semaphore, #tpu.memory_space<semaphore_mem>>) src(%arg8 : memref<128x128xf32, #tpu.memory_space<vmem>>) dst(%dma_wait3A_38 : memref<128x128xf32, #tpu.memory_space<vmem_shared>>)
      tpu.yield
    }) : () -> ()
    %add3A_17 = arith.constant 512 : i32
    %add3A_18 = arith.addi %mul3A_8, %add3A_17 : i32
    "tpu.region"() ({
      %run_scoped3A = tpu.sem_alloc : memref<!tpu.dma_semaphore, #tpu.memory_space<semaphore_mem>>
      %dma_start3A = arith.constant 0 : i32
      %dma_start3A_33 = tpu.memref_slice %arg9[%add3A_18, %dma_start3A] : memref<10240x128xf32, #tpu.memory_space<vmem_shared>> -> memref<128x128xf32, #tpu.memory_space<vmem_shared>>
      %dma_start3A_34 = arith.constant 0 : i32
      %dma_start3A_35 = tpu.memref_slice %arg9[%add3A_18, %dma_start3A_34] : memref<10240x128xf32, #tpu.memory_space<vmem_shared>> -> memref<128x128xf32, #tpu.memory_space<vmem_shared>>
      tpu.enqueue_dma source(%arg8 : memref<128x128xf32, #tpu.memory_space<vmem>>) target(%dma_start3A_35 : memref<128x128xf32, #tpu.memory_space<vmem_shared>>) target_semaphore(%run_scoped3A : memref<!tpu.dma_semaphore, #tpu.memory_space<semaphore_mem>>)
      %dma_wait3A = arith.constant 0 : i32
      %dma_wait3A_36 = tpu.memref_slice %arg9[%add3A_18, %dma_wait3A] : memref<10240x128xf32, #tpu.memory_space<vmem_shared>> -> memref<128x128xf32, #tpu.memory_space<vmem_shared>>
      %dma_wait3A_37 = arith.constant 0 : i32
      %dma_wait3A_38 = tpu.memref_slice %arg9[%add3A_18, %dma_wait3A_37] : memref<10240x128xf32, #tpu.memory_space<vmem_shared>> -> memref<128x128xf32, #tpu.memory_space<vmem_shared>>
      tpu.wait_dma2 semaphore(%run_scoped3A : memref<!tpu.dma_semaphore, #tpu.memory_space<semaphore_mem>>) src(%arg8 : memref<128x128xf32, #tpu.memory_space<vmem>>) dst(%dma_wait3A_38 : memref<128x128xf32, #tpu.memory_space<vmem_shared>>)
      tpu.yield
    }) : () -> ()
    %barrier3A = arith.constant 0 : index
    tpu.barrier barrier_id(%barrier3A)
    %eq3A = arith.constant 0 : i32
    %eq3A_19 = arith.cmpi eq, %arg0, %eq3A : i32
    %jit3A = arith.constant 66 : i32
    %jit3A_20 = arith.constant 92 : i32
    %select_n3A = arith.select %eq3A_19, %jit3A, %jit3A_20 : i32
    %while3A = arith.constant 0 : i32
    %while3A_21 = arith.constant 0 : i32
    %while3A_22 = arith.subi %select_n3A, %while3A : i32
    %while3A_23 = arith.addi %while3A, %while3A_22 : i32
    %while3A_24 = arith.constant 1 : i32
    %while3A_25 = arith.divsi %while3A_22, %while3A_24 : i32
    %while3A_26 = arith.muli %while3A_25, %while3A_24 : i32
    %while3A_27 = arith.addi %while3A, %while3A_26 : i32
    %while3A_28 = arith.constant 1 : i32
    %while3A_29 = scf.for %while3A_33 = %while3A to %while3A_27 step %while3A_28 iter_args(%while3A_34 = %while3A_21) -> (i32)  : i32 {
      %dma_start3A = arith.constant 0 : i32
      %dma_start3A_35 = tpu.memref_slice %arg6[%while3A_33, %dma_start3A] : memref<92x128xi32, #tpu.memory_space<vmem>> -> memref<1x128xi32, #tpu.memory_space<vmem>>
      %dma_start3A_36 = tpu.memref_squeeze %dma_start3A_35 : memref<1x128xi32, #tpu.memory_space<vmem>> -> memref<128xi32, #tpu.memory_space<vmem>>
      %dma_start3A_37 = arith.constant 0 : i32
      %dma_start3A_38 = arith.constant 0 : i32
      %dma_start3A_39 = tpu.memref_slice %arg2[%dma_start3A_37, %dma_start3A_38] : memref<10000x128xf32, #tpu.memory_space<hbm>> -> memref<10000x128xf32, #tpu.memory_space<hbm>>
      tpu.enqueue_indirect_dma source(%dma_start3A_39 : memref<10000x128xf32, #tpu.memory_space<hbm>>) target(%arg8 : memref<128x128xf32, #tpu.memory_space<vmem>>) offsets(%dma_start3A_36 : memref<128xi32, #tpu.memory_space<vmem>>) semaphore(%arg10 : memref<!tpu.dma_semaphore, #tpu.memory_space<semaphore_mem>>)
      %dma_wait3A = arith.constant 0 : i32
      %dma_wait3A_40 = tpu.memref_slice %arg6[%while3A_33, %dma_wait3A] : memref<92x128xi32, #tpu.memory_space<vmem>> -> memref<1x128xi32, #tpu.memory_space<vmem>>
      %dma_wait3A_41 = tpu.memref_squeeze %dma_wait3A_40 : memref<1x128xi32, #tpu.memory_space<vmem>> -> memref<128xi32, #tpu.memory_space<vmem>>
      %dma_wait3A_42 = arith.constant 0 : i32
      %dma_wait3A_43 = arith.constant 0 : i32
      %dma_wait3A_44 = tpu.memref_slice %arg2[%dma_wait3A_42, %dma_wait3A_43] : memref<10000x128xf32, #tpu.memory_space<hbm>> -> memref<10000x128xf32, #tpu.memory_space<hbm>>
      tpu.wait_indirect_dma semaphore(%arg10 : memref<!tpu.dma_semaphore, #tpu.memory_space<semaphore_mem>>) src(%dma_wait3A_44 : memref<10000x128xf32, #tpu.memory_space<hbm>>) dst(%arg8 : memref<128x128xf32, #tpu.memory_space<vmem>>)
      "tpu.region"() ({
        %run_scoped3A = tpu.sem_alloc : memref<!tpu.dma_semaphore, #tpu.memory_space<semaphore_mem>>
        %dma_start3A_46 = arith.constant 0 : i32
        %dma_start3A_47 = tpu.memref_slice %arg7[%while3A_33, %dma_start3A_46] : memref<92x128xi32, #tpu.memory_space<vmem>> -> memref<1x128xi32, #tpu.memory_space<vmem>>
        %dma_start3A_48 = tpu.memref_squeeze %dma_start3A_47 : memref<1x128xi32, #tpu.memory_space<vmem>> -> memref<128xi32, #tpu.memory_space<vmem>>
        %dma_start3A_49 = arith.constant 0 : i32
        %dma_start3A_50 = arith.constant 0 : i32
        %dma_start3A_51 = tpu.memref_slice %arg9[%dma_start3A_49, %dma_start3A_50] : memref<10240x128xf32, #tpu.memory_space<vmem_shared>> -> memref<10240x128xf32, #tpu.memory_space<vmem_shared>>
        tpu.enqueue_indirect_dma source(%arg8 : memref<128x128xf32, #tpu.memory_space<vmem>>) target(%dma_start3A_51 : memref<10240x128xf32, #tpu.memory_space<vmem_shared>>) offsets(%dma_start3A_48 : memref<128xi32, #tpu.memory_space<vmem>>) semaphore(%run_scoped3A : memref<!tpu.dma_semaphore, #tpu.memory_space<semaphore_mem>>) {add = true}
        %dma_wait3A_52 = arith.constant 0 : i32
        %dma_wait3A_53 = tpu.memref_slice %arg7[%while3A_33, %dma_wait3A_52] : memref<92x128xi32, #tpu.memory_space<vmem>> -> memref<1x128xi32, #tpu.memory_space<vmem>>
        %dma_wait3A_54 = tpu.memref_squeeze %dma_wait3A_53 : memref<1x128xi32, #tpu.memory_space<vmem>> -> memref<128xi32, #tpu.memory_space<vmem>>
        %dma_wait3A_55 = arith.constant 0 : i32
        %dma_wait3A_56 = arith.constant 0 : i32
        %dma_wait3A_57 = tpu.memref_slice %arg9[%dma_wait3A_55, %dma_wait3A_56] : memref<10240x128xf32, #tpu.memory_space<vmem_shared>> -> memref<10240x128xf32, #tpu.memory_space<vmem_shared>>
        tpu.wait_indirect_dma semaphore(%run_scoped3A : memref<!tpu.dma_semaphore, #tpu.memory_space<semaphore_mem>>) src(%arg8 : memref<128x128xf32, #tpu.memory_space<vmem>>) dst(%dma_wait3A_57 : memref<10240x128xf32, #tpu.memory_space<vmem_shared>>)
        tpu.yield
      }) : () -> ()
      %while3A_45 = arith.constant 0 : i32
      scf.yield %while3A_45 : i32
    }
    %while3A_30 = arith.constant 1 : i32
    %while3A_31 = scf.for %while3A_33 = %while3A_27 to %while3A_23 step %while3A_30 iter_args(%while3A_34 = %while3A_29) -> (i32)  : i32 {
      %dma_start3A = arith.constant 0 : i32
      %dma_start3A_35 = tpu.memref_slice %arg6[%while3A_33, %dma_start3A] : memref<92x128xi32, #tpu.memory_space<vmem>> -> memref<1x128xi32, #tpu.memory_space<vmem>>
      %dma_start3A_36 = tpu.memref_squeeze %dma_start3A_35 : memref<1x128xi32, #tpu.memory_space<vmem>> -> memref<128xi32, #tpu.memory_space<vmem>>
      %dma_start3A_37 = arith.constant 0 : i32
      %dma_start3A_38 = arith.constant 0 : i32
      %dma_start3A_39 = tpu.memref_slice %arg2[%dma_start3A_37, %dma_start3A_38] : memref<10000x128xf32, #tpu.memory_space<hbm>> -> memref<10000x128xf32, #tpu.memory_space<hbm>>
      tpu.enqueue_indirect_dma source(%dma_start3A_39 : memref<10000x128xf32, #tpu.memory_space<hbm>>) target(%arg8 : memref<128x128xf32, #tpu.memory_space<vmem>>) offsets(%dma_start3A_36 : memref<128xi32, #tpu.memory_space<vmem>>) semaphore(%arg10 : memref<!tpu.dma_semaphore, #tpu.memory_space<semaphore_mem>>)
      %dma_wait3A = arith.constant 0 : i32
      %dma_wait3A_40 = tpu.memref_slice %arg6[%while3A_33, %dma_wait3A] : memref<92x128xi32, #tpu.memory_space<vmem>> -> memref<1x128xi32, #tpu.memory_space<vmem>>
      %dma_wait3A_41 = tpu.memref_squeeze %dma_wait3A_40 : memref<1x128xi32, #tpu.memory_space<vmem>> -> memref<128xi32, #tpu.memory_space<vmem>>
      %dma_wait3A_42 = arith.constant 0 : i32
      %dma_wait3A_43 = arith.constant 0 : i32
      %dma_wait3A_44 = tpu.memref_slice %arg2[%dma_wait3A_42, %dma_wait3A_43] : memref<10000x128xf32, #tpu.memory_space<hbm>> -> memref<10000x128xf32, #tpu.memory_space<hbm>>
      tpu.wait_indirect_dma semaphore(%arg10 : memref<!tpu.dma_semaphore, #tpu.memory_space<semaphore_mem>>) src(%dma_wait3A_44 : memref<10000x128xf32, #tpu.memory_space<hbm>>) dst(%arg8 : memref<128x128xf32, #tpu.memory_space<vmem>>)
      "tpu.region"() ({
        %run_scoped3A = tpu.sem_alloc : memref<!tpu.dma_semaphore, #tpu.memory_space<semaphore_mem>>
        %dma_start3A_46 = arith.constant 0 : i32
        %dma_start3A_47 = tpu.memref_slice %arg7[%while3A_33, %dma_start3A_46] : memref<92x128xi32, #tpu.memory_space<vmem>> -> memref<1x128xi32, #tpu.memory_space<vmem>>
        %dma_start3A_48 = tpu.memref_squeeze %dma_start3A_47 : memref<1x128xi32, #tpu.memory_space<vmem>> -> memref<128xi32, #tpu.memory_space<vmem>>
        %dma_start3A_49 = arith.constant 0 : i32
        %dma_start3A_50 = arith.constant 0 : i32
        %dma_start3A_51 = tpu.memref_slice %arg9[%dma_start3A_49, %dma_start3A_50] : memref<10240x128xf32, #tpu.memory_space<vmem_shared>> -> memref<10240x128xf32, #tpu.memory_space<vmem_shared>>
        tpu.enqueue_indirect_dma source(%arg8 : memref<128x128xf32, #tpu.memory_space<vmem>>) target(%dma_start3A_51 : memref<10240x128xf32, #tpu.memory_space<vmem_shared>>) offsets(%dma_start3A_48 : memref<128xi32, #tpu.memory_space<vmem>>) semaphore(%run_scoped3A : memref<!tpu.dma_semaphore, #tpu.memory_space<semaphore_mem>>) {add = true}
        %dma_wait3A_52 = arith.constant 0 : i32
        %dma_wait3A_53 = tpu.memref_slice %arg7[%while3A_33, %dma_wait3A_52] : memref<92x128xi32, #tpu.memory_space<vmem>> -> memref<1x128xi32, #tpu.memory_space<vmem>>
        %dma_wait3A_54 = tpu.memref_squeeze %dma_wait3A_53 : memref<1x128xi32, #tpu.memory_space<vmem>> -> memref<128xi32, #tpu.memory_space<vmem>>
        %dma_wait3A_55 = arith.constant 0 : i32
        %dma_wait3A_56 = arith.constant 0 : i32
        %dma_wait3A_57 = tpu.memref_slice %arg9[%dma_wait3A_55, %dma_wait3A_56] : memref<10240x128xf32, #tpu.memory_space<vmem_shared>> -> memref<10240x128xf32, #tpu.memory_space<vmem_shared>>
        tpu.wait_indirect_dma semaphore(%run_scoped3A : memref<!tpu.dma_semaphore, #tpu.memory_space<semaphore_mem>>) src(%arg8 : memref<128x128xf32, #tpu.memory_space<vmem>>) dst(%dma_wait3A_57 : memref<10240x128xf32, #tpu.memory_space<vmem_shared>>)
        tpu.yield
      }) : () -> ()
      %while3A_45 = arith.constant 0 : i32
      scf.yield %while3A_45 : i32
    }
    %barrier3A_32 = arith.constant 0 : index
    tpu.barrier barrier_id(%barrier3A_32)
    "tpu.region"() ({
      %run_scoped3A = tpu.sem_alloc : memref<!tpu.dma_semaphore, #tpu.memory_space<semaphore_mem>>
      %dma_start3A = arith.constant 0 : i32
      %dma_start3A_33 = tpu.memref_slice %arg5[%arg0, %mul3A_8, %dma_start3A] : memref<2x10240x128xf32, #tpu.memory_space<hbm>> -> memref<1x640x128xf32, #tpu.memory_space<hbm>>
      %dma_start3A_34 = tpu.memref_squeeze %dma_start3A_33 : memref<1x640x128xf32, #tpu.memory_space<hbm>> -> memref<640x128xf32, #tpu.memory_space<hbm>>
      %dma_start3A_35 = arith.constant 0 : i32
      %dma_start3A_36 = tpu.memref_slice %arg9[%mul3A_8, %dma_start3A_35] : memref<10240x128xf32, #tpu.memory_space<vmem_shared>> -> memref<640x128xf32, #tpu.memory_space<vmem_shared>>
      tpu.enqueue_dma source(%dma_start3A_36 : memref<640x128xf32, #tpu.memory_space<vmem_shared>>) target(%dma_start3A_34 : memref<640x128xf32, #tpu.memory_space<hbm>>) target_semaphore(%run_scoped3A : memref<!tpu.dma_semaphore, #tpu.memory_space<semaphore_mem>>)
      %dma_wait3A = arith.constant 0 : i32
      %dma_wait3A_37 = tpu.memref_slice %arg5[%arg0, %mul3A_8, %dma_wait3A] : memref<2x10240x128xf32, #tpu.memory_space<hbm>> -> memref<1x640x128xf32, #tpu.memory_space<hbm>>
      %dma_wait3A_38 = tpu.memref_squeeze %dma_wait3A_37 : memref<1x640x128xf32, #tpu.memory_space<hbm>> -> memref<640x128xf32, #tpu.memory_space<hbm>>
      %dma_wait3A_39 = arith.constant 0 : i32
      %dma_wait3A_40 = tpu.memref_slice %arg9[%mul3A_8, %dma_wait3A_39] : memref<10240x128xf32, #tpu.memory_space<vmem_shared>> -> memref<640x128xf32, #tpu.memory_space<vmem_shared>>
      tpu.wait_dma2 semaphore(%run_scoped3A : memref<!tpu.dma_semaphore, #tpu.memory_space<semaphore_mem>>) src(%dma_wait3A_40 : memref<640x128xf32, #tpu.memory_space<vmem_shared>>) dst(%dma_wait3A_38 : memref<640x128xf32, #tpu.memory_space<hbm>>)
      tpu.yield
    }) : () -> ()
    return
  }
}

module attributes {stable_mosaic.version = 14 : i64} {
  func.func @_tc_finish_body(%arg0: i32, %arg1: memref<1000x128xf32, #tpu.memory_space<vmem>>, %arg2: memref<2x1000x128xf32, #tpu.memory_space<vmem>>, %arg3: memref<128x128xf32, #tpu.memory_space<vmem>>, %arg4: memref<128x128xf32, #tpu.memory_space<vmem>>, %arg5: memref<1x128xf32, #tpu.memory_space<vmem>>, %arg6: memref<1000x128xf32, #tpu.memory_space<vmem>>) attributes {dimension_semantics = [#tpu.dimension_semantics<arbitrary>], iteration_bounds = array<i64: 10>, scalar_prefetch = 0 : i64, scratch_operands = 0 : i64, tpu.core_type = #tpu.core_type<tc>, window_params = [{transform_indices = @transform_0, window_bounds = array<i64: 1000, 128>}, {transform_indices = @transform_1, window_bounds = array<i64: 2, 1000, 128>}, {pipeline_mode = #tpu.pipeline_mode<synchronous>, transform_indices = @transform_2, window_bounds = array<i64: 128, 128>}, {pipeline_mode = #tpu.pipeline_mode<synchronous>, transform_indices = @transform_3, window_bounds = array<i64: 128, 128>}, {pipeline_mode = #tpu.pipeline_mode<synchronous>, transform_indices = @transform_4, window_bounds = array<i64: 1, 128>}, {transform_indices = @transform_5, window_bounds = array<i64: 1000, 128>}]} {
    %get3A = arith.constant 0 : index
    %get3A_0 = arith.constant 0 : index
    %get3A_1 = arith.constant 0 : index
    %get3A_2 = vector.load %arg2[%get3A, %get3A_0, %get3A_1] : memref<2x1000x128xf32, #tpu.memory_space<vmem>>, vector<1x1000x128xf32>
    %get3A_3 = vector.shape_cast %get3A_2 : vector<1x1000x128xf32> to vector<1000x128xf32>
    %get3A_4 = arith.constant 1 : index
    %get3A_5 = arith.constant 0 : index
    %get3A_6 = arith.constant 0 : index
    %get3A_7 = vector.load %arg2[%get3A_4, %get3A_5, %get3A_6] : memref<2x1000x128xf32, #tpu.memory_space<vmem>>, vector<1x1000x128xf32>
    %get3A_8 = vector.shape_cast %get3A_7 : vector<1x1000x128xf32> to vector<1000x128xf32>
    %add3A = arith.addf %get3A_3, %get3A_8 : vector<1000x128xf32>
    %get3A_9 = arith.constant 0 : index
    %get3A_10 = arith.constant 0 : index
    %get3A_11 = vector.load %arg1[%get3A_9, %get3A_10] : memref<1000x128xf32, #tpu.memory_space<vmem>>, vector<1000x128xf32>
    %get3A_12 = arith.constant 0 : index
    %get3A_13 = arith.constant 0 : index
    %get3A_14 = vector.load %arg3[%get3A_12, %get3A_13] : memref<128x128xf32, #tpu.memory_space<vmem>>, vector<128x128xf32>
    %dot_general3A = arith.constant dense<0.000000e+00> : vector<1000x128xf32>
    %dot_general3A_15 = tpu.matmul %get3A_11, %get3A_14, %dot_general3A {dimension_numbers = #tpu.dot_dimension_numbers<[1], [0], [0], [1], [0, 0, 1, 1], [], []>, transpose_lhs_hint = false} : vector<1000x128xf32>, vector<128x128xf32>, vector<1000x128xf32> -> vector<1000x128xf32>
    %get3A_16 = arith.constant 0 : index
    %get3A_17 = arith.constant 0 : index
    %get3A_18 = vector.load %arg4[%get3A_16, %get3A_17] : memref<128x128xf32, #tpu.memory_space<vmem>>, vector<128x128xf32>
    %dot_general3A_19 = arith.constant dense<0.000000e+00> : vector<1000x128xf32>
    %dot_general3A_20 = tpu.matmul %add3A, %get3A_18, %dot_general3A_19 {dimension_numbers = #tpu.dot_dimension_numbers<[1], [0], [0], [1], [0, 0, 1, 1], [], []>, transpose_lhs_hint = false} : vector<1000x128xf32>, vector<128x128xf32>, vector<1000x128xf32> -> vector<1000x128xf32>
    %add3A_21 = arith.addf %dot_general3A_15, %dot_general3A_20 : vector<1000x128xf32>
    %get3A_22 = arith.constant 0 : index
    %get3A_23 = arith.constant 0 : index
    %get3A_24 = vector.load %arg5[%get3A_22, %get3A_23] : memref<1x128xf32, #tpu.memory_space<vmem>>, vector<1x128xf32>
    %add3A_25 = vector.broadcast %get3A_24 : vector<1x128xf32> to vector<1000x128xf32>
    %add3A_26 = arith.addf %add3A_21, %add3A_25 : vector<1000x128xf32>
    %max3A = arith.constant 0.000000e+00 : f32
    %max3A_27 = vector.broadcast %max3A : f32 to vector<1000x128xf32>
    %max3A_28 = arith.maximumf %add3A_26, %max3A_27 : vector<1000x128xf32>
    %swap3A = arith.constant 0 : index
    %swap3A_29 = arith.constant 0 : index
    %swap3A_30 = vector.load %arg6[%swap3A, %swap3A_29] : memref<1000x128xf32, #tpu.memory_space<vmem>>, vector<1000x128xf32>
    tpu.vector_store %arg6[%swap3A, %swap3A_29], %max3A_28 {strides = array<i32>} : memref<1000x128xf32, #tpu.memory_space<vmem>>, vector<1000x128xf32>,
    return
  }
  func.func @transform_0(%arg0: i32) -> (i32, i32) {
    %c0_i32 = arith.constant 0 : i32
    %c0_i32_0 = arith.constant 0 : i32
    return %arg0, %c0_i32 : i32, i32
  }
  func.func @transform_1(%arg0: i32) -> (i32, i32, i32) {
    %c0_i32 = arith.constant 0 : i32
    %c0_i32_0 = arith.constant 0 : i32
    %c0_i32_1 = arith.constant 0 : i32
    return %c0_i32, %arg0, %c0_i32_0 : i32, i32, i32
  }
  func.func @transform_2(%arg0: i32) -> (i32, i32) {
    %c0_i32 = arith.constant 0 : i32
    %c0_i32_0 = arith.constant 0 : i32
    %c0_i32_1 = arith.constant 0 : i32
    return %c0_i32, %c0_i32_0 : i32, i32
  }
  func.func @transform_3(%arg0: i32) -> (i32, i32) {
    %c0_i32 = arith.constant 0 : i32
    %c0_i32_0 = arith.constant 0 : i32
    %c0_i32_1 = arith.constant 0 : i32
    return %c0_i32, %c0_i32_0 : i32, i32
  }
  func.func @transform_4(%arg0: i32) -> (i32, i32) {
    %c0_i32 = arith.constant 0 : i32
    %c0_i32_0 = arith.constant 0 : i32
    %c0_i32_1 = arith.constant 0 : i32
    return %c0_i32, %c0_i32_0 : i32, i32
  }
  func.func @transform_5(%arg0: i32) -> (i32, i32) {
    %c0_i32 = arith.constant 0 : i32
    %c0_i32_0 = arith.constant 0 : i32
    return %arg0, %c0_i32 : i32, i32
  }
}

</mosaic_0001>

<sc_bundles>
// kernel: kernel.4.cloned.1.call-start
scs
__scs_entry_jumppad:
0x0: {  	(pc) =	sbr.rel $0x88, $3  }
0x1: {  	(tag) =	ssettag $0x0;
	lr =	simm.s32 $0x1  }
0x2: {  	[smem:$0x3F9C] =	sst lr;
	_ =	strace $0xD0000000  }
0x3: {  	_ = 	snop  }
0x4: {  	_ = 	snop  }
0x5: {  	_ = 	snop  }
0x6: {  	_ = 	snop  }
0x7: {  	_ = 	snop  }
__scs_overlays_trampoline_lowered:
0x8: {  	[smem:$0x3FAB] =	sst s0  }
0x9: {  	[smem:$0x3FAC] =	sst s1  }
0xa: {  	[smem:$0x3FAD] =	sst s2  }
0xb: {  	[smem:$0x3FAE] =	sst s3  }
0xc: {  	[smem:$0x3FAF] =	sst s4  }
0xd: {  	[smem:$0x3FB0] =	sst s5  }
0xe: {  	[smem:$0x3FB1] =	sst s6  }
0xf: {  	[smem:$0x3FB2] =	sst s7  }
0x10: {  	[smem:$0x3FB3] =	sst s8  }
0x11: {  	[smem:$0x3FB4] =	sst s9;
	s0 =	simm.s32 @!p0 $0x0  }
0x12: {  	s1 =	sld [smem:$0x3F9A];
	s0 =	simm.s32 @p0 $0x1  }
0x13: {  	[smem:$0x3FB5] =	sst s0;
	s0 =	simm.s32 @!p1 $0x0  }
0x14: {  	s2 =	sld [smem:$0x3F99];
	s0 =	simm.s32 @p1 $0x1  }
0x15: {  	[smem:$0x3FB6] =	sst s0;
	s0 =	simm.s32 @!p2 $0x0  }
0x16: {  	s3 =	sld [smem:$0x3FDB];
	s0 =	simm.s32 @p2 $0x1  }
0x17: {  	s4 =	simm.s32 $0x1BF5;
	[smem:$0x3FB8] =	sst s0  }
0x18: {  	s0 =	sld [smem:$0x3F9B];
	_ =	swait.ge [sflag:s4], $0x0  }
0x19: {  	s7 =	sld [smem:$0x3F9C]  }
0x1a: {  	s8 =	sadd.s32 $0xFFFFE003, lr  }
0x1b: {  	s9 =	sadd.s32 $0xFFFFFEF7, lr;
	s5 =	simm.s32 $0xFFFFFFFF;
	p2 =	slt.u32 s8, $0xFFFFF086  }
0x1c: {  	p1 =	slt.u32 s9, $0xF7A;
	s5 =	simm.s32 @!p2 $0x0  }
0x1d: {  	s5 =	simm.s32 @p1 $0x1;
	p0 =	seq.s32 s7, s2  }
0x1e: {  	s7 =	smul.u32 @!p0 $0xF7A, s2;
	p2 =	seq.s32 @!p0 s5, $0x0  }
0x1f: {  	s9 =	smul.u32 $0xF7A, s1;
	s8 =	simm.s32 @!p0 $0x1BF5;
	p2 =	por !p2, p0  }
0x20: {  	[sflag:s8] =	ssyncset.s32 @!p0 $0xFFFFF086;
	s6 =	sadd.s32 @!p0 s3, s7;
	s7 =	simm.s32 @!p0 $0x108  }
0x21: {  	s3 =	sadd.s32 s3, s9;
	s6 =	sadd.s32 @!p0 $0x88, s6;
	s7 =	simm.s32 @p2 $0x1082  }
0x22: {  	[simem:s7], [sflag:s8] =	dma.local @!p0 [hbm:s6], $0xF7A  }
0x23: {  	s9 =	sor.u32 $0xD0000000, s2;
	s6 =	simm.s32 $0x108;
	_ =	swait.ge @!p0 [sflag:s8], $0x0  }
0x24: {  	s3 =	sadd.s32 $0x88, s3;
	s6 =	simm.s32 @!p1 $0x1082;
	[sflag:s4] =	ssyncset.s32 $0xFFFFF086  }
0x25: {  	[simem:s6], [sflag:s4] =	dma.local [hbm:s3], $0xF7A  }
0x26: {  	[smem:$0x3F9C] =	sst s1;
	(tag) =	ssettag s2;
	_ =	strace s9  }
0x27: {  	s1 =	sld [smem:$0x3FAC]  }
0x28: {  	s2 =	sld [smem:$0x3FAD]  }
0x29: {  	s4 =	sld [smem:$0x3FAF]  }
0x2a: {  	p0 =	seq.s32 s5, $0x0;
	s5 =	sld [smem:$0x3FB0]  }
0x2b: {  	s6 =	sld [smem:$0x3FB1]  }
0x2c: {  	s7 =	sld [smem:$0x3FB2]  }
0x2d: {  	s3 =	simm.s32 $0x108;
	s8 =	sld [smem:$0x3FB3]  }
0x2e: {  	s3 =	simm.s32 @!p0 $0x1082;
	s9 =	sld [smem:$0x3FB4]  }
0x2f: {  	lr =	sadd.s32 s0, s3;
	s0 =	sld [smem:$0x3FAB]  }
0x30: {  	s3 =	sld [smem:$0x3FAE]  }
0x31: {  	[smem:$0x3FB7] =	sst s10  }
0x32: {  	s10 =	sld [smem:$0x3FB5];
	_ =	sdelay $0x3  }
0x33: {  	p0 =	seq.s32 s10, $0x1;
	s10 =	sld [smem:$0x3FB7];
	_ =	sdelay $0x3  }
0x34: {  	[smem:$0x3FB7] =	sst s10  }
0x35: {  	s10 =	sld [smem:$0x3FB6];
	_ =	sdelay $0x3  }
0x36: {  	p1 =	seq.s32 s10, $0x1;
	s10 =	sld [smem:$0x3FB7];
	_ =	sdelay $0x3  }
0x37: {  	[smem:$0x3FB7] =	sst s10  }
0x38: {  	s10 =	sld [smem:$0x3FB8]  }
0x39: {  	_ = 	snop;
	(pc) =	sbr.ind lr, $3  }
0x3a: {  	_ = 	snop  }
0x3b: {  	_ = 	snop  }
0x3c: {  	p2 =	seq.s32 s10, $0x1;
	s10 =	sld [smem:$0x3FB7]  }
0x3d: {  	_ =	shalt  }
0x3e: {  	_ =	shalt  }
0x3f: {  	_ =	shalt  }
0x40: {  	_ =	shalt  }
0x41: {  	_ =	shalt  }
0x42: {  	_ =	shalt  }
0x43: {  	_ =	shalt  }
0x44: {  	_ =	shalt  }
0x45: {  	_ =	shalt  }
0x46: {  	_ =	shalt  }
0x47: {  	_ =	shalt  }
0x48: {  	_ =	shalt  }
0x49: {  	_ =	shalt  }
0x4a: {  	_ =	shalt  }
0x4b: {  	_ =	shalt  }
0x4c: {  	_ =	shalt  }
0x4d: {  	_ =	shalt  }
0x4e: {  	_ =	shalt  }
0x4f: {  	_ =	shalt  }
0x50: {  	_ =	shalt  }
0x51: {  	_ =	shalt  }
0x52: {  	_ =	shalt  }
0x53: {  	_ =	shalt  }
0x54: {  	_ =	shalt  }
0x55: {  	_ =	shalt  }
0x56: {  	_ =	shalt  }
0x57: {  	_ =	shalt  }
0x58: {  	_ =	shalt  }
0x59: {  	_ =	shalt  }
0x5a: {  	_ =	shalt  }
0x5b: {  	_ =	shalt  }
0x5c: {  	_ =	shalt  }
0x5d: {  	_ =	shalt  }
0x5e: {  	_ =	shalt  }
0x5f: {  	_ =	shalt  }
0x60: {  	_ =	shalt  }
0x61: {  	_ =	shalt  }
0x62: {  	_ =	shalt  }
0x63: {  	_ =	shalt  }
0x64: {  	_ =	shalt  }
0x65: {  	_ =	shalt  }
0x66: {  	_ =	shalt  }
0x67: {  	_ =	shalt  }
0x68: {  	_ =	shalt  }
0x69: {  	_ =	shalt  }
0x6a: {  	_ =	shalt  }
0x6b: {  	_ =	shalt  }
0x6c: {  	_ =	shalt  }
0x6d: {  	_ =	shalt  }
0x6e: {  	_ =	shalt  }
0x6f: {  	_ =	shalt  }
0x70: {  	_ =	shalt  }
0x71: {  	_ =	shalt  }
0x72: {  	_ =	shalt  }
0x73: {  	_ =	shalt  }
0x74: {  	_ =	shalt  }
0x75: {  	_ =	shalt  }
0x76: {  	_ =	shalt  }
0x77: {  	_ =	shalt  }
0x78: {  	_ =	shalt  }
0x79: {  	_ =	shalt  }
0x7a: {  	_ =	shalt  }
0x7b: {  	_ =	shalt  }
0x7c: {  	_ =	shalt  }
0x7d: {  	_ =	shalt  }
0x7e: {  	_ =	shalt  }
0x7f: {  	_ =	shalt  }
0x80: {  	_ =	shalt  }
0x81: {  	_ =	shalt  }
0x82: {  	_ =	shalt  }
0x83: {  	_ =	shalt  }
0x84: {  	_ =	shalt  }
0x85: {  	_ =	shalt  }
0x86: {  	_ =	shalt  }
0x87: {  	_ =	shalt  }
.Lfunc_end0:
.L_simem_size_0:
called_computation_lowered:
.L_overlay_start_0:
0x88: {  	s2 =	sld [smem:$0x3FD9]  }
0x89: {  	s3 =	sld [smem:$0x3FFE];
	_ =	sdelay $0x1  }
0x8a: {  	s1 =	srdreg.scid  }
0x8b: {  	s0 =	sand.u32 $0x1, s1  }
0x8c: {  	s17 =	sshll.u32 s0, $0xA;
	s2 =	sadd.s32 s3, s2  }
0x8d: {  	s2 =	sadd.s32 s2, s17  }
0x8e: {  	[smem:$0x3FC3] =	sst s2  }
0x8f: {  	_ = 	snop  }
0x90: {  	s2 =	sld [smem:$0x3FC9]  }
0x91: {  	s18 =	sld [smem:$0x3FD0];
	(tm) =	ssettm $0x1  }
0x92: {  	s4 =	sld [smem:$0x3FFB];
	_ =	sdelay $0x3  }
0x93: {  	_ =	strace s4  }
0x94: {  	s4 =	sld [smem:$0x3FFC];
	_ =	sdelay $0x3  }
0x95: {  	_ =	strace s4  }
0x96: {  	s4 =	sld [smem:$0x3FFD];
	_ =	sdelay $0x3  }
0x97: {  	_ =	strace s4  }
0x98: {  	_ =	strace $0x8FFFFFFF  }
0x99: {  	s19 =	sld [smem:$0x3FDB];
	_ =	sdelay $0x1  }
0x9a: {  	s5 =	simm.s32 $_scs_section_size  }
0x9b: {  	s6 =	simm.s32 $_size__tile_overlayer_lowered;
	s7 =	simm.s32 $_tile_overlayer_lowered  }
0x9c: {  	s22 =	simm.s32 $0x1BFF;
	s21 =	sshll.u32 s7, $0x1;
	s4 =	sadd.s32 s5, s19  }
0x9d: {  	s8 =	simm.s32 $0x0;
	s20 =	sshll.u32 s6, $0x1;
	s6 =	sadd.s32 s21, s4  }
0x9e: {  	[timem:s8], [sflag:s22] =	dma.local [hbm:s6], s20  }
0x9f: {  	_ =	swait.ge [sflag:s22], s20  }
0xa0: {  	s5 =	ssub.s32 $0x0, s20;
	[sflag:s22] =	ssyncset.done $0x0  }
0xa1: {  	[sflag:s22] =	ssyncadd.s32 s5;
	_ =	sdelay $0x1  }
0xa2: {  	s23 =	simm.s32 $0x1B8B  }
0xa3: {  	_ =	swait.ge [sflag:s23], $0x1  }
0xa4: {  	[sflag:s23] =	ssyncset.done $0x0  }
0xa5: {  	s25 =	simm.s32 $0x1B8E;
	s24 =	sld [smem:$0x3FFE];
	[sflag:s23] =	ssyncadd.s32 $0xFFFFFFFF  }
0xa6: {  	s26 =	simm.s32 $execute0_lowered;
	[smem:$0x3FD2] =	sst s25  }
0xa7: {  	s6 =	sshll.u32 s26, $0x1;
	_ =	strace $0x80000046;
	[dreg:$0x1] =	wrdreg $0xFFFFFFFF  }
0xa8: {  	s28 =	simm.s32 $_size_execute0_lowered;
	s4 =	sadd.s32 s4, s6;
	[dreg:$0x0] =	wrdreg $0x0  }
0xa9: {  	s6 =	sshll.u32 s28, $0x1;
	[dreg:$0x2] =	wrdreg s4  }
0xaa: {  	[dreg:$0x3] =	wrdreg s6  }
0xab: {  	[dreg:$0x4] =	wrdreg $0xC0  }
0xac: {  	_ =	task [dreg:s8], $0x5FFFF  }
0xad: {  	[dreg:$0x1] =	wrdreg $0xFFFFFFFF  }
0xae: {  	[dreg:$0x0] =	wrdreg $0x60  }
0xaf: {  	[dreg:$0x2] =	wrdreg s2  }
0xb0: {  	[dreg:$0x3] =	wrdreg s18  }
0xb1: {  	[dreg:$0x4] =	wrdreg s24  }
0xb2: {  	[dreg:$0x5] =	wrdreg $0xA0000  }
0xb3: {  	[dreg:$0x6] =	wrdreg $0x9  }
0xb4: {  	_ =	task.clear_ibuf [dreg:s8], $0x7FFFF;
	_ =	strace $0x90000046  }
0xb5: {  	s29 =	simm.s32 $0x9;
	_ =	strace $0x80000048  }
0xb6: {  	_ =	swait.ge [sflag:s29], $0x1  }
0xb7: {  	[sflag:s29] =	ssyncadd.s32 $0xFFFFFFFF  }
0xb8: {  	_ =	strace $0x90000048  }
0xb9: {  	_ =	sfence  }
0xba: {  	s30 =	sld [smem:$0x0];
	_ =	sdelay $0x2  }
0xbb: {  	s31 =	sshll.u32 s1, $0xD;
	s1 =	sshrl.u32 s1, $0x2  }
0xbc: {  	s3 =	sand.u32 $0x4000, s31;
	s1 =	sadd.s32 s1, s30  }
0xbd: {  	s0 =	sor.u32 s3, s0;
	s1 =	sshll.u32 s1, $0x11  }
0xbe: {  	s0 =	sor.u32 s1, s0  }
0xbf: {  	s0 =	sadd.s32 $0x8F2B, s0  }
0xc0: {  	[sflag:s0] =	ssyncadd.remote.s32 $0x1  }
0xc1: {  	_ =	sfence.sel $0xFFFF  }
0xc2: {  	[dreg:$0x0] =	wrdreg $0xFFFFFFFF;
	(pc) =	sbr.abs _section_cstart, $3  }
0xc3: {  	[dreg:$0x1] =	wrdreg $0xFFFFFFFF  }
0xc4: {  	_ =	task.clear_ibuf [dreg:s8], $0x2FFFF;
	_ =	strace $0x9FFFFFFF  }
0xc5: {  	(tm) =	ssettm $0x7FFFFFFF  }
tec
execute0_lowered:
.L_overlay_start_1:
0x0: {  	(tag) =	ssettag $0x1  }
0x1: {  	s1 =	rddreg [dreg:$0x0]  }
0x2: {  	s5 =	rddreg [dreg:$0x1]  }
0x3: {  	s6 =	rddreg [dreg:$0x2]  }
0x4: {  	s3 =	rddreg [dreg:$0x3];
	s4 =	srdreg.scid  }
0x5: {  	s0 =	rddreg [dreg:$0x4];
	s2 =	stileid.u32  }
0x6: {  	s16 =	simm.s32 $0x3000;
	s17 =	simm.s32 $0x6000;
	s18 =	simm.s32 $0x80  }
0x7: {  	s19 =	simm.s32 $0x1;
	s22 =	simm.s32 $0x0;
	s9 =	smul.u32 $0x14000, s2  }
0x8: {  	s12 =	sand.u32 $0x1, s4;
	s4 =	simm.s32 $0x0;
	s10 =	smul.u32 $0x50000, s2  }
0x9: {  	s7 =	sshll.u32 s2, $0x1;
	s20 =	sshll.u32 s2, $0x6;
	s8 =	smul.u32 $0x140000, s12  }
0xa: {  	[smem:$0x7FF] =	sst s4;
	s7 =	sor.u32 s12, s7;
	s30 =	ssub.s32 $0x2, s12  }
0xb: {  	p0 =	seq.s32 s12, $0x0;
	s12 =	simm.s32 $0x42;
	s20 =	sor.u32 $0x1C02, s20  }
0xc: {  	_ =	strace $0x80000047;
	s7 =	smul.u32 $0x600, s7;
	s13 =	sshrl.u32 s30, $0x1  }
0xd: {  	s31 =	sshrl.u32 s10, $0x2;
	s12 =	simm.s32 @!p0 $0x5C;
	s8 =	sadd.s32 s9, s8  }
0xe: {  	s15 =	ssub.s32 s30, s13;
	s11 =	sadd.s32 s7, s6;
	s8 =	sshrl.u32 s8, $0x3  }
0xf: {  	s5 =	sadd.s32 s5, s7;
	s7 =	sadd.s32 s31, s3;
	s14 =	sadd.s32 s8, s6  }
0x10: {  	s6 =	sadd.s32 $0x2000, s11;
	s8 =	sadd.s32 $0x4000, s7;
	s9 =	sadd.s32 $0x8000, s7  }
0x11: {  	s10 =	sadd.s32 $0xC000, s7;
	s11 =	sadd.s32 $0x10000, s7;
	s21 =	sshrl.u32 s7, $0x3  }
0x12: {  	v0 =	vimm.f32 $0.0e+00;
	s13 =	sadd.s32 $0xE000, s14;
	s14 =	smax.u32 s15, $0x1;
	s15 =	simm.s32 $0x2  }
.LBB2_1:
0x13: {  	[tilespmem:s4], [sflag:$0x2] =	stream.linear.gather [hbm4b:s5+s4], $0x2E00, $0x38;
	[tilespmem:$0x1E000] =	vst v63  }
0x14: {  	_ =	swait.ge [sflag:s15], $0x2E00  }
0x15: {  	[sflag:s15] =	ssyncset.done $0x0  }
0x16: {  	[sflag:s15] =	ssyncadd.s32 $0xFFFFD200  }
0x17: {  	[tilespmem:s16], [sflag:$0x2] =	stream.linear.gather [hbm4b:s6+s4], $0x2E00, $0x38;
	[tilespmem:$0x1E000] =	vst v63  }
0x18: {  	_ =	swait.ge [sflag:s15], $0x2E00  }
0x19: {  	[sflag:s15] =	ssyncset.done $0x0  }
0x1a: {  	s23 =	simm.s32 $0x0;
	s24 =	simm.s32 $0x200;
	[sflag:s15] =	ssyncadd.s32 $0xFFFFD200  }
.LBB2_2:
0x1b: {  	p0 =	sne.s32 s24, $0xFE00;
	[tilespmem:s23+$0x6070] =	vst v0  }
0x1c: {  	[tilespmem:s23+$0x6000] =	vst v0  }
0x1d: {  	[tilespmem:s23+$0x6010] =	vst v0  }
.Ltmp0:
0x1e: {  	[tilespmem:s23+$0x6020] =	vst v0;
	(pc) =	sbr.rel @p0 .LBB2_2-.Ltmp0, $4  }
0x1f: {  	[tilespmem:s23+$0x6030] =	vst v0  }
0x20: {  	[tilespmem:s23+$0x6040] =	vst v0  }
0x21: {  	[tilespmem:s23+$0x6050] =	vst v0  }
0x22: {  	[tilespmem:s23+$0x6060] =	vst v0;
	s23 =	sshra.s32 s24, $0x2;
	s24 =	sadd.s32 $0x200, s24  }
0x23: {  	[tilespmem:s23+$0x6070] =	vst v0  }
0x24: {  	[tilespmem:s23+$0x6000] =	vst v0  }
0x25: {  	[tilespmem:s23+$0x6010] =	vst v0  }
0x26: {  	[tilespmem:s23+$0x6020] =	vst v0  }
0x27: {  	[tilespmem:s23+$0x6030] =	vst v0  }
0x28: {  	[tilespmem:s23+$0x6040] =	vst v0  }
0x29: {  	[tilespmem:s23+$0x6050] =	vst v0  }
0x2a: {  	[tilespmem:s23+$0x6060] =	vst v0  }
0x2b: {  	[spmem:s7] =	stream.linear.scatter [tilespmem:s17], [sflag:$0x2], $0x4000, $0x38;
	[tilespmem:$0x1E000] =	vst v63  }
0x2c: {  	_ =	swait.ge [sflag:s15], $0x4000  }
0x2d: {  	[sflag:s15] =	ssyncset.done $0x0  }
0x2e: {  	[sflag:s15] =	ssyncadd.s32 $0xFFFFC000  }
0x2f: {  	[spmem:s8] =	stream.linear.scatter [tilespmem:s17], [sflag:$0x2], $0x4000, $0x38;
	[tilespmem:$0x1E000] =	vst v63  }
0x30: {  	_ =	swait.ge [sflag:s15], $0x4000  }
0x31: {  	[sflag:s15] =	ssyncset.done $0x0  }
0x32: {  	[sflag:s15] =	ssyncadd.s32 $0xFFFFC000  }
0x33: {  	[spmem:s9] =	stream.linear.scatter [tilespmem:s17], [sflag:$0x2], $0x4000, $0x38;
	[tilespmem:$0x1E000] =	vst v63  }
0x34: {  	_ =	swait.ge [sflag:s15], $0x4000  }
0x35: {  	[sflag:s15] =	ssyncset.done $0x0  }
0x36: {  	[sflag:s15] =	ssyncadd.s32 $0xFFFFC000  }
0x37: {  	[spmem:s10] =	stream.linear.scatter [tilespmem:s17], [sflag:$0x2], $0x4000, $0x38;
	[tilespmem:$0x1E000] =	vst v63  }
0x38: {  	_ =	swait.ge [sflag:s15], $0x4000  }
0x39: {  	[sflag:s15] =	ssyncset.done $0x0  }
0x3a: {  	[sflag:s15] =	ssyncadd.s32 $0xFFFFC000  }
0x3b: {  	[spmem:s11] =	stream.linear.scatter [tilespmem:s17], [sflag:$0x2], $0x4000, $0x38;
	[tilespmem:$0x1E000] =	vst v63  }
0x3c: {  	_ =	swait.ge [sflag:s15], $0x4000  }
0x3d: {  	[sflag:s15] =	ssyncset.done $0x0  }
0x3e: {  	[sflag:s15] =	ssyncadd.s32 $0xFFFFC000  }
0x3f: {  	s23 =	simm.s32 $0x0;
	[bflag:$0x0] =	sbarrier.arrive $0xFFFF  }
0x40: {  	[tilespmem:s17], [sflag:$0x1] =	stream.indirect.gather [hbm4b:s1+s18], $0x80, s23, s18, $0xb8;
	[tilespmem:$0x1E000] =	vst v63  }
0x41: {  	p0 =	sne.s32 s12, $0x1;
	_ =	swait.ge [sflag:s19], $0x4000  }
.Ltmp1:
0x42: {  	[sflag:s19] =	ssyncset.done $0x0;
	(pc) =	sbr.rel @!p0 .LBB2_5-.Ltmp1, $4  }
0x43: {  	s24 =	simm.s32 $0x3000;
	[sflag:s19] =	ssyncadd.s32 $0xFFFFC000  }
0x44: {  	[spmem:s3] =	stream.indirect.scatter.add.f32 [tilespmem:s17], [sflag:$0x2], $0x80, s24, s18, $0xb8;
	[tilespmem:$0x1E000] =	vst v63  }
0x45: {  	_ =	swait.ge [sflag:s15], $0x4000  }
0x46: {  	s25 =	sadd.s32 $0xFFFFFFFF, s12;
	[sflag:s15] =	ssyncset.done $0x0  }
.LBB2_4:
0x47: {  	[sflag:s15] =	ssyncadd.s32 $0xFFFFC000;
	s23 =	sadd.s32 $0x80, s23;
	s24 =	sadd.s32 $0x80, s24  }
0x48: {  	[tilespmem:s17], [sflag:$0x1] =	stream.indirect.gather [hbm4b:s1+s18], $0x80, s23, s18, $0xb8;
	[tilespmem:$0x1E000] =	vst v63  }
0x49: {  	p0 =	sne.s32 s25, $0x1;
	s25 =	sadd.s32 $0xFFFFFFFF, s25;
	_ =	swait.ge [sflag:s19], $0x4000  }
.Ltmp2:
0x4a: {  	[sflag:s19] =	ssyncset.done $0x0;
	(pc) =	sbr.rel @p0 .LBB2_4-.Ltmp2, $4  }
0x4b: {  	[sflag:s19] =	ssyncadd.s32 $0xFFFFC000  }
0x4c: {  	[spmem:s3] =	stream.indirect.scatter.add.f32 [tilespmem:s17], [sflag:$0x2], $0x80, s24, s18, $0xb8;
	[tilespmem:$0x1E000] =	vst v63  }
0x4d: {  	_ =	swait.ge [sflag:s15], $0x4000  }
0x4e: {  	[sflag:s15] =	ssyncset.done $0x0  }
.LBB2_5:
0x4f: {  	s22 =	sadd.s32 $0x1, s22  }
0x50: {  	[sflag:s15] =	ssyncadd.s32 $0xFFFFC000;
	p0 =	sne.s32 s22, s14  }
.Ltmp3:
0x51: {  	[bflag:$0x0] =	sbarrier.arrive $0xFFFF;
	(pc) =	sbr.rel @p0 .LBB2_1-.Ltmp3, $4  }
0x52: {  	[hbm:s13], [sflag:s20] =	dma.local [spmem:s21], $0x2800  }
0x53: {  	_ =	swait.ge [sflag:s15], $0x2800  }
0x54: {  	[sflag:s15] =	ssyncset.done $0x0  }
0x55: {  	[sflag:s15] =	ssyncadd.s32 $0xFFFFD800  }
0x56: {  	_ =	sfence.sel $0x180000  }
0x57: {  	[bflag:$0x0] =	sbarrier.arrive $0xFFFF  }
0x58: {  	p0 =	sne.s32 s2, $0x0;
	_ =	strace $0x90000047  }
0x59: {  	s0 =	sadd.s32 @!p0 $0x100000, s0;
	[bflag:$0x2] =	sbarrier.arrive $0xFFFF  }
0x5a: {  	[sflag:s0] =	ssyncadd.tile.s32 @!p0 $0x1;
	_ =	shalt  }
.Lfunc_end2:
_tile_overlayer_lowered:
.L_overlay_start_2:
0x5b: {  	(tag) =	ssettag $0x2  }
0x5c: {  	s0 =	rddreg [dreg:$0x0];
	s2 =	stileid.u32  }
0x5d: {  	s1 =	rddreg [dreg:$0x1];
	p0 =	sne.s32 s2, $0x0  }
0x5e: {  	s3 =	rddreg [dreg:$0x2];
	[bflag:$0x3] =	sbarrier.arrive $0xFFFF;
	s2 =	simm.s32 @!p0 $0x1C02  }
0x5f: {  	[timem:s3], [sflag:s2] =	dma.local @!p0 [hbm:s0], s1  }
0x60: {  	s0 =	simm.s32 @!p0 $0x2  }
0x61: {  	_ =	swait.ge @!p0 [sflag:s0], s1  }
0x62: {  	s1 =	ssub.s32 @!p0 $0x0, s1;
	[sflag:s0] =	ssyncset.done @!p0 $0x0  }
0x63: {  	[sflag:s0] =	ssyncadd.s32 @!p0 s1  }
0x64: {  	[bflag:$0x3] =	sbarrier.arrive $0xFFFF  }
0x65: {  	_ =	shalt  }

</sc_bundles>
